<compile_context>
chip_gen: v7x
topology: tpu7x:2x2x1
jax: 0.10.2.dev20260603
libtpu: 0.0.44.dev20260713+nightly
codegen_flags: <defaults>
</compile_context>

<pallas_src>
import jax
import jax.numpy as jnp
from jax.experimental import pallas as pl
from jax.experimental.pallas import tpu as pltpu
from jax.experimental.pallas import tpu_sc as plsc

WINDOW = 256
REP = 64


def kernel(tgt, emb_weight):
    batch, hist = tgt.shape
    n = batch * hist
    vocab, dim = emb_weight.shape
    table_rep = jnp.tile(emb_weight, (REP, 1))
    spread = (jnp.arange(n, dtype=jnp.int32) % REP) * vocab
    idx = (tgt.reshape(-1).astype(jnp.int32) + spread).reshape(1, n)

    mesh = plsc.VectorSubcoreMesh(core_axis_name="core",
                                  subcore_axis_name="subcore")

    @pl.kernel(out_type=jax.ShapeDtypeStruct((n, dim), emb_weight.dtype),
               mesh=mesh,
               scratch_types=[pltpu.VMEM_SHARED((vocab * REP, dim), jnp.float32),
                              pltpu.SemaphoreType.DMA])
    def gather_kernel(table_hbm, idx_hbm, out_hbm, table_spmem, sem):
        @pl.when(jax.lax.axis_index("subcore") == 0)
        def _():
            pltpu.sync_copy(table_hbm, table_spmem)

        plsc.subcore_barrier()

        def body(idx_vmem, out_vmem):
            pltpu.async_copy(table_spmem.at[idx_vmem.at[0]], out_vmem,
                             sem).wait()

        pltpu.emit_pipeline(
            body,
            grid=(n // WINDOW,),
            in_specs=[pl.BlockSpec((1, WINDOW), index_map=lambda i: (0, i))],
            out_specs=[pl.BlockSpec((WINDOW, dim), index_map=lambda i: (i, 0))],
            core_axis_name=("core", "subcore"),
            dimension_semantics=(pltpu.PARALLEL,),
        )(idx_hbm, out_hbm)

    out = gather_kernel(table_rep, idx)
    return out.reshape(batch, hist, dim)

# --- scband reference (transcript-rebuilt; emitter-appended) ---
"""Pipeline reference for scband-fake-tgt-emb-81844896792677 (READ-ONLY COPY).

The authoritative reference and input builder live on the scoring server;
editing this copy changes nothing except your own understanding.
"""

import jax, jax.numpy as jnp
import numpy as np

VOCAB = 100
DIM = 128
BATCH = 16384
HIST = 200

def setup_inputs(seed: int = 0) -> dict:
    key = jax.random.key(seed)
    k1, k2 = jax.random.split(key)
    tgt = jax.random.randint(k1, (BATCH, HIST), 0, VOCAB, dtype=jnp.int64 if jax.config.jax_enable_x64 else jnp.int32)
    emb_weight = jax.random.normal(k2, (VOCAB, DIM), dtype=jnp.float32)
    return {"tgt": tgt, "emb_weight": emb_weight}

def reference(tgt, emb_weight):
    # nn.Embedding forward: gather rows of the table by index.
    # (padding_idx only affects gradients in torch, not the forward gather.)
    return jnp.take(emb_weight, tgt, axis=0)

if __name__ == "__main__":
    import jax
    _d = setup_inputs()
    print(jax.jit(kernel)(*tuple(_d.values())))

</pallas_src>

<mosaic_0001>
#map = affine_map<(d0, d1) -> (0, 0)>
module attributes {stable_mosaic.version = 14 : i64} {
  func.func @gather_kernel(%arg0: i32, %arg1: i32, %arg2: memref<6400x128xf32, #tpu.memory_space<hbm>>, %arg3: memref<1x3276800xi32, #tpu.memory_space<hbm>>, %arg4: memref<3276800x128xf32, #tpu.memory_space<hbm>>, %arg5: memref<6400x128xf32, #tpu.memory_space<vmem_shared>>, %arg6: memref<!tpu.dma_semaphore, #tpu.memory_space<semaphore_mem>>) attributes {dimension_semantics = [#tpu.dimension_semantics<core_parallel>, #tpu.dimension_semantics<subcore_parallel>], iteration_bounds = array<i64: 2, 16>, scalar_prefetch = 0 : i64, scratch_operands = 2 : i64, tpu.core_type = #tpu.core_type<sc_vector_subcore>, window_params = [{transform_indices = #map}, {transform_indices = #map}, {transform_indices = #map}]} {
    %eq3A = arith.constant 0 : i32
    %eq3A_0 = arith.cmpi eq, %arg1, %eq3A : i32
    %convert_element_type3A = arith.extui %eq3A_0 : i1 to i32
    %cond3A = arith.constant 0 : i32
    %cond3A_1 = arith.cmpi ne, %convert_element_type3A, %cond3A : i32
    scf.if %cond3A_1 {
      "tpu.region"() ({
        %run_scoped3A = tpu.sem_alloc : memref<!tpu.dma_semaphore, #tpu.memory_space<semaphore_mem>>
        tpu.enqueue_dma source(%arg2 : memref<6400x128xf32, #tpu.memory_space<hbm>>) target(%arg5 : memref<6400x128xf32, #tpu.memory_space<vmem_shared>>) target_semaphore(%run_scoped3A : memref<!tpu.dma_semaphore, #tpu.memory_space<semaphore_mem>>)
        tpu.wait_dma2 semaphore(%run_scoped3A : memref<!tpu.dma_semaphore, #tpu.memory_space<semaphore_mem>>) src(%arg2 : memref<6400x128xf32, #tpu.memory_space<hbm>>) dst(%arg5 : memref<6400x128xf32, #tpu.memory_space<vmem_shared>>)
        tpu.yield
      }) : () -> ()
    } else {
    }
    %barrier3A = arith.constant 0 : index
    tpu.barrier barrier_id(%barrier3A)
    %mul3A = arith.constant 1 : i32
    %mul3A_2 = arith.muli %arg1, %mul3A : i32
    %add3A = arith.constant 0 : i32
    %add3A_3 = arith.addi %add3A, %mul3A_2 : i32
    %mul3A_4 = arith.constant 16 : i32
    %mul3A_5 = arith.muli %arg0, %mul3A_4 : i32
    %add3A_6 = arith.addi %add3A_3, %mul3A_5 : i32
    %mul3A_7 = arith.constant 400 : i32
    %mul3A_8 = arith.muli %add3A_6, %mul3A_7 : i32
    "tpu.region"() ({
      %run_scoped3A = memref.alloca() : memref<2x1x256xi32, #tpu.memory_space<vmem>>
      %run_scoped3A_9 = tpu.sem_alloc : memref<2x!tpu.dma_semaphore, #tpu.memory_space<semaphore_mem>>
      %run_scoped3A_10 = memref.alloca() : memref<2x256x128xf32, #tpu.memory_space<vmem>>
      %run_scoped3A_11 = tpu.sem_alloc : memref<2x!tpu.dma_semaphore, #tpu.memory_space<semaphore_mem>>
      %add3A_12 = arith.constant 0 : i32
      %add3A_13 = arith.addi %add3A_12, %mul3A_8 : i32
      %select_n3A = arith.constant true
      %select_n3A_14 = arith.constant 0 : i32
      %select_n3A_15 = arith.constant -1 : i32
      %select_n3A_16 = arith.select %select_n3A, %select_n3A_15, %select_n3A_14 : i32
      %eq3A_17 = arith.constant -1 : i32
      %eq3A_18 = arith.cmpi eq, %select_n3A_16, %eq3A_17 : i32
      %select_n3A_19 = arith.constant 399 : i32
      %select_n3A_20 = arith.select %eq3A_18, %select_n3A_19, %select_n3A_16 : i32
      %add3A_21 = arith.addi %select_n3A_20, %mul3A_8 : i32
      %select_n3A_22 = arith.constant true
      %select_n3A_23 = arith.constant 0 : i32
      %select_n3A_24 = arith.constant 1 : i32
      %select_n3A_25 = arith.select %select_n3A_22, %select_n3A_24, %select_n3A_23 : i32
      %eq3A_26 = arith.constant 400 : i32
      %eq3A_27 = arith.cmpi eq, %select_n3A_25, %eq3A_26 : i32
      %select_n3A_28 = arith.constant 0 : i32
      %select_n3A_29 = arith.select %eq3A_27, %select_n3A_28, %select_n3A_25 : i32
      %add3A_30 = arith.addi %select_n3A_29, %mul3A_8 : i32
      %add3A_31 = arith.constant 1 : i32
      %add3A_32 = arith.addi %select_n3A_29, %add3A_31 : i32
      %select_n3A_33 = arith.constant true
      %select_n3A_34 = arith.select %select_n3A_33, %add3A_32, %select_n3A_29 : i32
      %eq3A_35 = arith.constant 400 : i32
      %eq3A_36 = arith.cmpi eq, %select_n3A_34, %eq3A_35 : i32
      %select_n3A_37 = arith.constant 0 : i32
      %select_n3A_38 = arith.select %eq3A_36, %select_n3A_37, %select_n3A_34 : i32
      %add3A_39 = arith.addi %select_n3A_38, %mul3A_8 : i32
      "tpu.trace_start"() <{level = 10 : i32, message = "ep_initialize_0"}> : () -> ()
      %rem3A = arith.constant 0 : i32
      %rem3A_40 = arith.constant 2 : i32
      %rem3A_41 = arith.remui %rem3A, %rem3A_40 : i32
      %mul3A_42 = arith.constant 256 : i32
      %mul3A_43 = arith.muli %mul3A_42, %add3A_13 : i32
      %dma_start3A = arith.constant 0 : i32
      %dma_start3A_44 = arith.constant 0 : i32
      %dma_start3A_45 = tpu.memref_slice %run_scoped3A[%rem3A_41, %dma_start3A, %dma_start3A_44] : memref<2x1x256xi32, #tpu.memory_space<vmem>> -> memref<1x1x256xi32, #tpu.memory_space<vmem>>
      %dma_start3A_46 = tpu.memref_squeeze %dma_start3A_45 : memref<1x1x256xi32, #tpu.memory_space<vmem>> -> memref<1x256xi32, #tpu.memory_space<vmem>>
      %dma_start3A_47 = arith.constant 0 : i32
      %dma_start3A_48 = tpu.memref_slice %arg3[%dma_start3A_47, %mul3A_43] : memref<1x3276800xi32, #tpu.memory_space<hbm>> -> memref<1x256xi32, #tpu.memory_space<hbm>>
      %dma_start3A_49 = tpu.memref_slice %run_scoped3A_9[%rem3A_41] : memref<2x!tpu.dma_semaphore, #tpu.memory_space<semaphore_mem>> -> memref<1x!tpu.dma_semaphore, #tpu.memory_space<semaphore_mem>>
      %dma_start3A_50 = tpu.memref_squeeze %dma_start3A_49 : memref<1x!tpu.dma_semaphore, #tpu.memory_space<semaphore_mem>> -> memref<!tpu.dma_semaphore, #tpu.memory_space<semaphore_mem>>
      %dma_start3A_51 = arith.constant 0 : i32
      %dma_start3A_52 = arith.constant 0 : i32
      %dma_start3A_53 = tpu.memref_slice %run_scoped3A[%rem3A_41, %dma_start3A_51, %dma_start3A_52] : memref<2x1x256xi32, #tpu.memory_space<vmem>> -> memref<1x1x256xi32, #tpu.memory_space<vmem>>
      %dma_start3A_54 = tpu.memref_squeeze %dma_start3A_53 : memref<1x1x256xi32, #tpu.memory_space<vmem>> -> memref<1x256xi32, #tpu.memory_space<vmem>>
      %dma_start3A_55 = arith.constant 0 : i32
      %dma_start3A_56 = tpu.memref_slice %arg3[%dma_start3A_55, %mul3A_43] : memref<1x3276800xi32, #tpu.memory_space<hbm>> -> memref<1x256xi32, #tpu.memory_space<hbm>>
      tpu.enqueue_dma source(%dma_start3A_56 : memref<1x256xi32, #tpu.memory_space<hbm>>) target(%dma_start3A_54 : memref<1x256xi32, #tpu.memory_space<vmem>>) target_semaphore(%dma_start3A_50 : memref<!tpu.dma_semaphore, #tpu.memory_space<semaphore_mem>>)
      %add3A_57 = arith.constant 0 : i32
      %add3A_58 = arith.constant 1 : i32
      %add3A_59 = arith.addi %add3A_57, %add3A_58 : i32
      %select_n3A_60 = arith.constant true
      %select_n3A_61 = arith.constant 0 : i32
      %select_n3A_62 = arith.select %select_n3A_60, %add3A_59, %select_n3A_61 : i32
      "tpu.trace_stop"() : () -> ()
      %scan3A = arith.constant 0 : i32
      %scan3A_63 = arith.constant 0 : i32
      %scan3A_64 = arith.constant 0 : i32
      %scan3A_65 = arith.constant 0 : i32
      %scan3A_66 = arith.constant 0 : i32
      %scan3A_67 = arith.constant 400 : i32
      %scan3A_68 = arith.addi %scan3A_66, %scan3A_67 : i32
      %scan3A_69 = arith.constant 1 : i32
      %scan3A_70:5 = scf.for %scan3A_124 = %scan3A_66 to %scan3A_68 step %scan3A_69 iter_args(%scan3A_125 = %select_n3A_62, %scan3A_126 = %scan3A, %scan3A_127 = %scan3A_63, %scan3A_128 = %scan3A_64, %scan3A_129 = %scan3A_65) -> (i32, i32, i32, i32, i32)  : i32 {
        %eq3A_130 = arith.constant 0 : i32
        %eq3A_131 = arith.cmpi eq, %scan3A_124, %eq3A_130 : i32
        %eq3A_132 = arith.constant 399 : i32
        %eq3A_133 = arith.cmpi eq, %scan3A_124, %eq3A_132 : i32
        %add3A_134 = arith.addi %scan3A_129, %mul3A_8 : i32
        %sub3A_135 = arith.constant 1 : i32
        %sub3A_136 = arith.subi %scan3A_129, %sub3A_135 : i32
        %select_n3A_137 = arith.constant true
        %select_n3A_138 = arith.select %select_n3A_137, %sub3A_136, %scan3A_129 : i32
        %eq3A_139 = arith.constant -1 : i32
        %eq3A_140 = arith.cmpi eq, %select_n3A_138, %eq3A_139 : i32
        %select_n3A_141 = arith.constant 399 : i32
        %select_n3A_142 = arith.select %eq3A_140, %select_n3A_141, %select_n3A_138 : i32
        %add3A_143 = arith.addi %select_n3A_142, %mul3A_8 : i32
        %add3A_144 = arith.constant 1 : i32
        %add3A_145 = arith.addi %scan3A_129, %add3A_144 : i32
        %select_n3A_146 = arith.constant true
        %select_n3A_147 = arith.select %select_n3A_146, %add3A_145, %scan3A_129 : i32
        %eq3A_148 = arith.constant 400 : i32
        %eq3A_149 = arith.cmpi eq, %select_n3A_147, %eq3A_148 : i32
        %select_n3A_150 = arith.constant 0 : i32
        %select_n3A_151 = arith.select %eq3A_149, %select_n3A_150, %select_n3A_147 : i32
        %add3A_152 = arith.addi %select_n3A_151, %mul3A_8 : i32
        %add3A_153 = arith.constant 1 : i32
        %add3A_154 = arith.addi %select_n3A_151, %add3A_153 : i32
        %select_n3A_155 = arith.constant true
        %select_n3A_156 = arith.select %select_n3A_155, %add3A_154, %select_n3A_151 : i32
        %eq3A_157 = arith.constant 400 : i32
        %eq3A_158 = arith.cmpi eq, %select_n3A_156, %eq3A_157 : i32
        %select_n3A_159 = arith.constant 0 : i32
        %select_n3A_160 = arith.select %eq3A_158, %select_n3A_159, %select_n3A_156 : i32
        %add3A_161 = arith.addi %select_n3A_160, %mul3A_8 : i32
        %ne3A = arith.cmpi ne, %add3A_134, %add3A_152 : i32
        %or3A = arith.constant false
        %or3A_162 = arith.ori %or3A, %ne3A : i1
        %ge3A = arith.constant 399 : i32
        %ge3A_163 = arith.cmpi sge, %scan3A_124, %ge3A : i32
        %not3A = arith.constant true
        %not3A_164 = arith.xori %ge3A_163, %not3A : i1
        %and3A = arith.andi %or3A_162, %not3A_164 : i1
        %convert_element_type3A_165 = arith.extui %and3A : i1 to i32
        %cond3A_166 = arith.constant 0 : i32
        %cond3A_167 = arith.cmpi ne, %convert_element_type3A_165, %cond3A_166 : i32
        scf.if %cond3A_167 {
          "tpu.trace_start"() <{level = 10 : i32, message = "ep_copy_in"}> : () -> ()
          %rem3A_298 = arith.constant 2 : i32
          %rem3A_299 = arith.remui %scan3A_125, %rem3A_298 : i32
          %mul3A_300 = arith.constant 256 : i32
          %mul3A_301 = arith.muli %mul3A_300, %add3A_152 : i32
          %dma_start3A_302 = arith.constant 0 : i32
          %dma_start3A_303 = arith.constant 0 : i32
          %dma_start3A_304 = tpu.memref_slice %run_scoped3A[%rem3A_299, %dma_start3A_302, %dma_start3A_303] : memref<2x1x256xi32, #tpu.memory_space<vmem>> -> memref<1x1x256xi32, #tpu.memory_space<vmem>>
          %dma_start3A_305 = tpu.memref_squeeze %dma_start3A_304 : memref<1x1x256xi32, #tpu.memory_space<vmem>> -> memref<1x256xi32, #tpu.memory_space<vmem>>
          %dma_start3A_306 = arith.constant 0 : i32
          %dma_start3A_307 = tpu.memref_slice %arg3[%dma_start3A_306, %mul3A_301] : memref<1x3276800xi32, #tpu.memory_space<hbm>> -> memref<1x256xi32, #tpu.memory_space<hbm>>
          %dma_start3A_308 = tpu.memref_slice %run_scoped3A_9[%rem3A_299] : memref<2x!tpu.dma_semaphore, #tpu.memory_space<semaphore_mem>> -> memref<1x!tpu.dma_semaphore, #tpu.memory_space<semaphore_mem>>
          %dma_start3A_309 = tpu.memref_squeeze %dma_start3A_308 : memref<1x!tpu.dma_semaphore, #tpu.memory_space<semaphore_mem>> -> memref<!tpu.dma_semaphore, #tpu.memory_space<semaphore_mem>>
          %dma_start3A_310 = arith.constant 0 : i32
          %dma_start3A_311 = arith.constant 0 : i32
          %dma_start3A_312 = tpu.memref_slice %run_scoped3A[%rem3A_299, %dma_start3A_310, %dma_start3A_311] : memref<2x1x256xi32, #tpu.memory_space<vmem>> -> memref<1x1x256xi32, #tpu.memory_space<vmem>>
          %dma_start3A_313 = tpu.memref_squeeze %dma_start3A_312 : memref<1x1x256xi32, #tpu.memory_space<vmem>> -> memref<1x256xi32, #tpu.memory_space<vmem>>
          %dma_start3A_314 = arith.constant 0 : i32
          %dma_start3A_315 = tpu.memref_slice %arg3[%dma_start3A_314, %mul3A_301] : memref<1x3276800xi32, #tpu.memory_space<hbm>> -> memref<1x256xi32, #tpu.memory_space<hbm>>
          tpu.enqueue_dma source(%dma_start3A_315 : memref<1x256xi32, #tpu.memory_space<hbm>>) target(%dma_start3A_313 : memref<1x256xi32, #tpu.memory_space<vmem>>) target_semaphore(%dma_start3A_309 : memref<!tpu.dma_semaphore, #tpu.memory_space<semaphore_mem>>)
          "tpu.trace_stop"() : () -> ()
        } else {
        }
        %and3A_168 = arith.constant true
        %and3A_169 = arith.andi %and3A, %and3A_168 : i1
        %add3A_170 = arith.constant 1 : i32
        %add3A_171 = arith.addi %scan3A_125, %add3A_170 : i32
        %select_n3A_172 = arith.select %and3A_169, %add3A_171, %scan3A_125 : i32
        %ne3A_173 = arith.cmpi ne, %add3A_134, %add3A_152 : i32
        %or3A_174 = arith.constant false
        %or3A_175 = arith.ori %or3A_174, %ne3A_173 : i1
        %or3A_176 = arith.constant false
        %or3A_177 = arith.ori %or3A_175, %or3A_176 : i1
        %ge3A_178 = arith.constant 399 : i32
        %ge3A_179 = arith.cmpi sge, %scan3A_124, %ge3A_178 : i32
        %not3A_180 = arith.constant true
        %not3A_181 = arith.xori %ge3A_179, %not3A_180 : i1
        %and3A_182 = arith.andi %or3A_177, %not3A_181 : i1
        %ne3A_183 = arith.cmpi ne, %add3A_134, %add3A_143 : i32
        %or3A_184 = arith.constant false
        %or3A_185 = arith.ori %or3A_184, %ne3A_183 : i1
        %or3A_186 = arith.ori %or3A_185, %eq3A_131 : i1
        %convert_element_type3A_187 = arith.extui %or3A_186 : i1 to i32
        %cond3A_188 = arith.constant 0 : i32
        %cond3A_189 = arith.cmpi ne, %convert_element_type3A_187, %cond3A_188 : i32
        scf.if %cond3A_189 {
          "tpu.trace_start"() <{level = 10 : i32, message = "ep_wait_in"}> : () -> ()
          %mul3A_298 = arith.constant 256 : i32
          %mul3A_299 = arith.muli %mul3A_298, %add3A_134 : i32
          %rem3A_300 = arith.constant 2 : i32
          %rem3A_301 = arith.remui %scan3A_126, %rem3A_300 : i32
          %dma_wait3A_302 = arith.constant 0 : i32
          %dma_wait3A_303 = arith.constant 0 : i32
          %dma_wait3A_304 = tpu.memref_slice %run_scoped3A[%rem3A_301, %dma_wait3A_302, %dma_wait3A_303] : memref<2x1x256xi32, #tpu.memory_space<vmem>> -> memref<1x1x256xi32, #tpu.memory_space<vmem>>
          %dma_wait3A_305 = tpu.memref_squeeze %dma_wait3A_304 : memref<1x1x256xi32, #tpu.memory_space<vmem>> -> memref<1x256xi32, #tpu.memory_space<vmem>>
          %dma_wait3A_306 = arith.constant 0 : i32
          %dma_wait3A_307 = tpu.memref_slice %arg3[%dma_wait3A_306, %mul3A_299] : memref<1x3276800xi32, #tpu.memory_space<hbm>> -> memref<1x256xi32, #tpu.memory_space<hbm>>
          %dma_wait3A_308 = tpu.memref_slice %run_scoped3A_9[%rem3A_301] : memref<2x!tpu.dma_semaphore, #tpu.memory_space<semaphore_mem>> -> memref<1x!tpu.dma_semaphore, #tpu.memory_space<semaphore_mem>>
          %dma_wait3A_309 = tpu.memref_squeeze %dma_wait3A_308 : memref<1x!tpu.dma_semaphore, #tpu.memory_space<semaphore_mem>> -> memref<!tpu.dma_semaphore, #tpu.memory_space<semaphore_mem>>
          %dma_wait3A_310 = arith.constant 0 : i32
          %dma_wait3A_311 = arith.constant 0 : i32
          %dma_wait3A_312 = tpu.memref_slice %run_scoped3A[%rem3A_301, %dma_wait3A_310, %dma_wait3A_311] : memref<2x1x256xi32, #tpu.memory_space<vmem>> -> memref<1x1x256xi32, #tpu.memory_space<vmem>>
          %dma_wait3A_313 = tpu.memref_squeeze %dma_wait3A_312 : memref<1x1x256xi32, #tpu.memory_space<vmem>> -> memref<1x256xi32, #tpu.memory_space<vmem>>
          %dma_wait3A_314 = arith.constant 0 : i32
          %dma_wait3A_315 = tpu.memref_slice %arg3[%dma_wait3A_314, %mul3A_299] : memref<1x3276800xi32, #tpu.memory_space<hbm>> -> memref<1x256xi32, #tpu.memory_space<hbm>>
          tpu.wait_dma2 semaphore(%dma_wait3A_309 : memref<!tpu.dma_semaphore, #tpu.memory_space<semaphore_mem>>) src(%dma_wait3A_315 : memref<1x256xi32, #tpu.memory_space<hbm>>) dst(%dma_wait3A_313 : memref<1x256xi32, #tpu.memory_space<vmem>>)
          "tpu.trace_stop"() : () -> ()
        } else {
        }
        %ne3A_190 = arith.cmpi ne, %add3A_134, %add3A_143 : i32
        %or3A_191 = arith.constant false
        %or3A_192 = arith.ori %or3A_191, %ne3A_190 : i1
        %or3A_193 = arith.constant false
        %or3A_194 = arith.ori %or3A_192, %or3A_193 : i1
        %or3A_195 = arith.ori %or3A_194, %eq3A_131 : i1
        %convert_element_type3A_196 = arith.extui %or3A_195 : i1 to i32
        %cond3A_197 = arith.constant 0 : i32
        %cond3A_198 = arith.cmpi ne, %convert_element_type3A_196, %cond3A_197 : i32
        scf.if %cond3A_198 {
        } else {
        }
        %rem3A_199 = arith.constant 2 : i32
        %rem3A_200 = arith.remui %scan3A_126, %rem3A_199 : i32
        %rem3A_201 = arith.constant 2 : i32
        %rem3A_202 = arith.remui %scan3A_127, %rem3A_201 : i32
        %dma_start3A_203 = arith.constant 0 : i32
        "tpu.trace_start"() <{level = 10 : i32, message = "ep_run_kernel"}> : () -> ()
        %dma_start3A_204 = arith.constant 0 : i32
        %dma_start3A_205 = arith.constant 0 : i32
        %dma_start3A_206 = tpu.memref_slice %run_scoped3A_10[%rem3A_202, %dma_start3A_204, %dma_start3A_205] : memref<2x256x128xf32, #tpu.memory_space<vmem>> -> memref<1x256x128xf32, #tpu.memory_space<vmem>>
        %dma_start3A_207 = tpu.memref_squeeze %dma_start3A_206 : memref<1x256x128xf32, #tpu.memory_space<vmem>> -> memref<256x128xf32, #tpu.memory_space<vmem>>
        %dma_start3A_208 = arith.constant 0 : i32
        %dma_start3A_209 = arith.constant 0 : i32
        %dma_start3A_210 = tpu.memref_slice %run_scoped3A[%rem3A_200, %dma_start3A_208, %dma_start3A_209] : memref<2x1x256xi32, #tpu.memory_space<vmem>> -> memref<1x1x256xi32, #tpu.memory_space<vmem>>
        %dma_start3A_211 = tpu.memref_squeeze %dma_start3A_210 : memref<1x1x256xi32, #tpu.memory_space<vmem>> -> memref<1x256xi32, #tpu.memory_space<vmem>>
        %dma_start3A_212 = arith.constant 0 : i32
        %dma_start3A_213 = tpu.memref_slice %dma_start3A_211[%dma_start3A_203, %dma_start3A_212] : memref<1x256xi32, #tpu.memory_space<vmem>> -> memref<1x256xi32, #tpu.memory_space<vmem>>
        %dma_start3A_214 = tpu.memref_squeeze %dma_start3A_213 : memref<1x256xi32, #tpu.memory_space<vmem>> -> memref<256xi32, #tpu.memory_space<vmem>>
        %dma_start3A_215 = arith.constant 0 : i32
        %dma_start3A_216 = arith.constant 0 : i32
        %dma_start3A_217 = tpu.memref_slice %arg5[%dma_start3A_215, %dma_start3A_216] : memref<6400x128xf32, #tpu.memory_space<vmem_shared>> -> memref<6400x128xf32, #tpu.memory_space<vmem_shared>>
        tpu.enqueue_indirect_dma source(%dma_start3A_217 : memref<6400x128xf32, #tpu.memory_space<vmem_shared>>) target(%dma_start3A_207 : memref<256x128xf32, #tpu.memory_space<vmem>>) offsets(%dma_start3A_214 : memref<256xi32, #tpu.memory_space<vmem>>) semaphore(%arg6 : memref<!tpu.dma_semaphore, #tpu.memory_space<semaphore_mem>>)
        %dma_wait3A_218 = arith.constant 0 : i32
        %dma_wait3A_219 = arith.constant 0 : i32
        %dma_wait3A_220 = arith.constant 0 : i32
        %dma_wait3A_221 = tpu.memref_slice %run_scoped3A_10[%rem3A_202, %dma_wait3A_219, %dma_wait3A_220] : memref<2x256x128xf32, #tpu.memory_space<vmem>> -> memref<1x256x128xf32, #tpu.memory_space<vmem>>
        %dma_wait3A_222 = tpu.memref_squeeze %dma_wait3A_221 : memref<1x256x128xf32, #tpu.memory_space<vmem>> -> memref<256x128xf32, #tpu.memory_space<vmem>>
        %dma_wait3A_223 = arith.constant 0 : i32
        %dma_wait3A_224 = arith.constant 0 : i32
        %dma_wait3A_225 = tpu.memref_slice %run_scoped3A[%rem3A_200, %dma_wait3A_223, %dma_wait3A_224] : memref<2x1x256xi32, #tpu.memory_space<vmem>> -> memref<1x1x256xi32, #tpu.memory_space<vmem>>
        %dma_wait3A_226 = tpu.memref_squeeze %dma_wait3A_225 : memref<1x1x256xi32, #tpu.memory_space<vmem>> -> memref<1x256xi32, #tpu.memory_space<vmem>>
        %dma_wait3A_227 = arith.constant 0 : i32
        %dma_wait3A_228 = tpu.memref_slice %dma_wait3A_226[%dma_wait3A_218, %dma_wait3A_227] : memref<1x256xi32, #tpu.memory_space<vmem>> -> memref<1x256xi32, #tpu.memory_space<vmem>>
        %dma_wait3A_229 = tpu.memref_squeeze %dma_wait3A_228 : memref<1x256xi32, #tpu.memory_space<vmem>> -> memref<256xi32, #tpu.memory_space<vmem>>
        %dma_wait3A_230 = arith.constant 0 : i32
        %dma_wait3A_231 = arith.constant 0 : i32
        %dma_wait3A_232 = tpu.memref_slice %arg5[%dma_wait3A_230, %dma_wait3A_231] : memref<6400x128xf32, #tpu.memory_space<vmem_shared>> -> memref<6400x128xf32, #tpu.memory_space<vmem_shared>>
        tpu.wait_indirect_dma semaphore(%arg6 : memref<!tpu.dma_semaphore, #tpu.memory_space<semaphore_mem>>) src(%dma_wait3A_232 : memref<6400x128xf32, #tpu.memory_space<vmem_shared>>) dst(%dma_wait3A_222 : memref<256x128xf32, #tpu.memory_space<vmem>>)
        "tpu.trace_stop"() : () -> ()
        %ne3A_233 = arith.cmpi ne, %add3A_134, %add3A_152 : i32
        %or3A_234 = arith.constant false
        %or3A_235 = arith.ori %or3A_234, %ne3A_233 : i1
        %or3A_236 = arith.ori %or3A_235, %eq3A_133 : i1
        %convert_element_type3A_237 = arith.extui %or3A_236 : i1 to i32
        %cond3A_238 = arith.constant 0 : i32
        %cond3A_239 = arith.cmpi ne, %convert_element_type3A_237, %cond3A_238 : i32
        scf.if %cond3A_239 {
        } else {
        }
        %and3A_240 = arith.constant false
        %and3A_241 = arith.andi %or3A_236, %and3A_240 : i1
        %ne3A_242 = arith.cmpi ne, %add3A_134, %add3A_152 : i32
        %or3A_243 = arith.constant false
        %or3A_244 = arith.ori %or3A_243, %ne3A_242 : i1
        %or3A_245 = arith.constant false
        %or3A_246 = arith.ori %or3A_244, %or3A_245 : i1
        %or3A_247 = arith.ori %or3A_246, %eq3A_133 : i1
        %convert_element_type3A_248 = arith.extui %or3A_247 : i1 to i32
        %cond3A_249 = arith.constant 0 : i32
        %cond3A_250 = arith.cmpi ne, %convert_element_type3A_248, %cond3A_249 : i32
        scf.if %cond3A_250 {
          "tpu.trace_start"() <{level = 10 : i32, message = "ep_copy_out"}> : () -> ()
          %rem3A_298 = arith.constant 2 : i32
          %rem3A_299 = arith.remui %scan3A_127, %rem3A_298 : i32
          %mul3A_300 = arith.constant 256 : i32
          %mul3A_301 = arith.muli %mul3A_300, %add3A_134 : i32
          %dma_start3A_302 = arith.constant 0 : i32
          %dma_start3A_303 = arith.constant 0 : i32
          %dma_start3A_304 = tpu.memref_slice %run_scoped3A_10[%rem3A_299, %dma_start3A_302, %dma_start3A_303] : memref<2x256x128xf32, #tpu.memory_space<vmem>> -> memref<1x256x128xf32, #tpu.memory_space<vmem>>
          %dma_start3A_305 = tpu.memref_squeeze %dma_start3A_304 : memref<1x256x128xf32, #tpu.memory_space<vmem>> -> memref<256x128xf32, #tpu.memory_space<vmem>>
          %dma_start3A_306 = arith.constant 0 : i32
          %dma_start3A_307 = tpu.memref_slice %arg4[%mul3A_301, %dma_start3A_306] : memref<3276800x128xf32, #tpu.memory_space<hbm>> -> memref<256x128xf32, #tpu.memory_space<hbm>>
          %dma_start3A_308 = tpu.memref_slice %run_scoped3A_11[%rem3A_299] : memref<2x!tpu.dma_semaphore, #tpu.memory_space<semaphore_mem>> -> memref<1x!tpu.dma_semaphore, #tpu.memory_space<semaphore_mem>>
          %dma_start3A_309 = tpu.memref_squeeze %dma_start3A_308 : memref<1x!tpu.dma_semaphore, #tpu.memory_space<semaphore_mem>> -> memref<!tpu.dma_semaphore, #tpu.memory_space<semaphore_mem>>
          %dma_start3A_310 = arith.constant 0 : i32
          %dma_start3A_311 = tpu.memref_slice %arg4[%mul3A_301, %dma_start3A_310] : memref<3276800x128xf32, #tpu.memory_space<hbm>> -> memref<256x128xf32, #tpu.memory_space<hbm>>
          %dma_start3A_312 = arith.constant 0 : i32
          %dma_start3A_313 = arith.constant 0 : i32
          %dma_start3A_314 = tpu.memref_slice %run_scoped3A_10[%rem3A_299, %dma_start3A_312, %dma_start3A_313] : memref<2x256x128xf32, #tpu.memory_space<vmem>> -> memref<1x256x128xf32, #tpu.memory_space<vmem>>
          %dma_start3A_315 = tpu.memref_squeeze %dma_start3A_314 : memref<1x256x128xf32, #tpu.memory_space<vmem>> -> memref<256x128xf32, #tpu.memory_space<vmem>>
          tpu.enqueue_dma source(%dma_start3A_315 : memref<256x128xf32, #tpu.memory_space<vmem>>) target(%dma_start3A_311 : memref<256x128xf32, #tpu.memory_space<hbm>>) target_semaphore(%dma_start3A_309 : memref<!tpu.dma_semaphore, #tpu.memory_space<semaphore_mem>>)
          "tpu.trace_stop"() : () -> ()
        } else {
        }
        %and3A_251 = arith.constant true
        %and3A_252 = arith.andi %or3A_247, %and3A_251 : i1
        %add3A_253 = arith.constant 1 : i32
        %add3A_254 = arith.addi %scan3A_127, %add3A_253 : i32
        %select_n3A_255 = arith.select %and3A_252, %add3A_254, %scan3A_127 : i32
        %ne3A_256 = arith.cmpi ne, %add3A_134, %add3A_143 : i32
        %or3A_257 = arith.constant false
        %or3A_258 = arith.ori %or3A_257, %ne3A_256 : i1
        %not3A_259 = arith.constant true
        %not3A_260 = arith.xori %eq3A_131, %not3A_259 : i1
        %and3A_261 = arith.andi %or3A_258, %not3A_260 : i1
        %convert_element_type3A_262 = arith.extui %and3A_261 : i1 to i32
        %cond3A_263 = arith.constant 0 : i32
        %cond3A_264 = arith.cmpi ne, %convert_element_type3A_262, %cond3A_263 : i32
        scf.if %cond3A_264 {
        } else {
        }
        %and3A_265 = arith.constant false
        %and3A_266 = arith.andi %and3A_261, %and3A_265 : i1
        %ne3A_267 = arith.cmpi ne, %add3A_134, %add3A_143 : i32
        %or3A_268 = arith.constant false
        %or3A_269 = arith.ori %or3A_268, %ne3A_267 : i1
        %or3A_270 = arith.constant false
        %or3A_271 = arith.ori %or3A_269, %or3A_270 : i1
        %not3A_272 = arith.constant true
        %not3A_273 = arith.xori %eq3A_131, %not3A_272 : i1
        %and3A_274 = arith.andi %or3A_271, %not3A_273 : i1
        %convert_element_type3A_275 = arith.extui %and3A_274 : i1 to i32
        %cond3A_276 = arith.constant 0 : i32
        %cond3A_277 = arith.cmpi ne, %convert_element_type3A_275, %cond3A_276 : i32
        scf.if %cond3A_277 {
          "tpu.trace_start"() <{level = 10 : i32, message = "ep_wait_out"}> : () -> ()
          %rem3A_298 = arith.constant 2 : i32
          %rem3A_299 = arith.remui %scan3A_128, %rem3A_298 : i32
          %mul3A_300 = arith.constant 256 : i32
          %mul3A_301 = arith.muli %mul3A_300, %add3A_143 : i32
          %dma_wait3A_302 = arith.constant 0 : i32
          %dma_wait3A_303 = arith.constant 0 : i32
          %dma_wait3A_304 = tpu.memref_slice %run_scoped3A_10[%rem3A_299, %dma_wait3A_302, %dma_wait3A_303] : memref<2x256x128xf32, #tpu.memory_space<vmem>> -> memref<1x256x128xf32, #tpu.memory_space<vmem>>
          %dma_wait3A_305 = tpu.memref_squeeze %dma_wait3A_304 : memref<1x256x128xf32, #tpu.memory_space<vmem>> -> memref<256x128xf32, #tpu.memory_space<vmem>>
          %dma_wait3A_306 = arith.constant 0 : i32
          %dma_wait3A_307 = tpu.memref_slice %arg4[%mul3A_301, %dma_wait3A_306] : memref<3276800x128xf32, #tpu.memory_space<hbm>> -> memref<256x128xf32, #tpu.memory_space<hbm>>
          %dma_wait3A_308 = tpu.memref_slice %run_scoped3A_11[%rem3A_299] : memref<2x!tpu.dma_semaphore, #tpu.memory_space<semaphore_mem>> -> memref<1x!tpu.dma_semaphore, #tpu.memory_space<semaphore_mem>>
          %dma_wait3A_309 = tpu.memref_squeeze %dma_wait3A_308 : memref<1x!tpu.dma_semaphore, #tpu.memory_space<semaphore_mem>> -> memref<!tpu.dma_semaphore, #tpu.memory_space<semaphore_mem>>
          %dma_wait3A_310 = arith.constant 0 : i32
          %dma_wait3A_311 = tpu.memref_slice %arg4[%mul3A_301, %dma_wait3A_310] : memref<3276800x128xf32, #tpu.memory_space<hbm>> -> memref<256x128xf32, #tpu.memory_space<hbm>>
          %dma_wait3A_312 = arith.constant 0 : i32
          %dma_wait3A_313 = arith.constant 0 : i32
          %dma_wait3A_314 = tpu.memref_slice %run_scoped3A_10[%rem3A_299, %dma_wait3A_312, %dma_wait3A_313] : memref<2x256x128xf32, #tpu.memory_space<vmem>> -> memref<1x256x128xf32, #tpu.memory_space<vmem>>
          %dma_wait3A_315 = tpu.memref_squeeze %dma_wait3A_314 : memref<1x256x128xf32, #tpu.memory_space<vmem>> -> memref<256x128xf32, #tpu.memory_space<vmem>>
          tpu.wait_dma2 semaphore(%dma_wait3A_309 : memref<!tpu.dma_semaphore, #tpu.memory_space<semaphore_mem>>) src(%dma_wait3A_315 : memref<256x128xf32, #tpu.memory_space<vmem>>) dst(%dma_wait3A_311 : memref<256x128xf32, #tpu.memory_space<hbm>>)
          "tpu.trace_stop"() : () -> ()
        } else {
        }
        %and3A_278 = arith.constant true
        %and3A_279 = arith.andi %and3A_274, %and3A_278 : i1
        %add3A_280 = arith.constant 1 : i32
        %add3A_281 = arith.addi %scan3A_128, %add3A_280 : i32
        %select_n3A_282 = arith.select %and3A_279, %add3A_281, %scan3A_128 : i32
        %ne3A_283 = arith.cmpi ne, %add3A_134, %add3A_152 : i32
        %or3A_284 = arith.constant false
        %or3A_285 = arith.ori %or3A_284, %ne3A_283 : i1
        %or3A_286 = arith.ori %or3A_285, %eq3A_133 : i1
        %add3A_287 = arith.constant 1 : i32
        %add3A_288 = arith.addi %scan3A_126, %add3A_287 : i32
        %select_n3A_289 = arith.select %or3A_286, %add3A_288, %scan3A_126 : i32
        %add3A_290 = arith.constant 1 : i32
        %add3A_291 = arith.addi %scan3A_129, %add3A_290 : i32
        %select_n3A_292 = arith.constant true
        %select_n3A_293 = arith.select %select_n3A_292, %add3A_291, %scan3A_129 : i32
        %eq3A_294 = arith.constant 400 : i32
        %eq3A_295 = arith.cmpi eq, %select_n3A_293, %eq3A_294 : i32
        %select_n3A_296 = arith.constant 0 : i32
        %select_n3A_297 = arith.select %eq3A_295, %select_n3A_296, %select_n3A_293 : i32
        scf.yield %select_n3A_172, %select_n3A_289, %select_n3A_255, %select_n3A_282, %select_n3A_297 : i32, i32, i32, i32, i32
      }
      %scan3A_71 = arith.constant 400 : i32
      %sub3A = arith.constant 1 : i32
      %sub3A_72 = arith.subi %scan3A_70#4, %sub3A : i32
      %select_n3A_73 = arith.constant true
      %select_n3A_74 = arith.select %select_n3A_73, %sub3A_72, %scan3A_70#4 : i32
      %eq3A_75 = arith.constant -1 : i32
      %eq3A_76 = arith.cmpi eq, %select_n3A_74, %eq3A_75 : i32
      %select_n3A_77 = arith.constant 399 : i32
      %select_n3A_78 = arith.select %eq3A_76, %select_n3A_77, %select_n3A_74 : i32
      %add3A_79 = arith.addi %select_n3A_78, %mul3A_8 : i32
      %sub3A_80 = arith.constant 1 : i32
      %sub3A_81 = arith.subi %select_n3A_78, %sub3A_80 : i32
      %select_n3A_82 = arith.constant true
      %select_n3A_83 = arith.select %select_n3A_82, %sub3A_81, %select_n3A_78 : i32
      %eq3A_84 = arith.constant -1 : i32
      %eq3A_85 = arith.cmpi eq, %select_n3A_83, %eq3A_84 : i32
      %select_n3A_86 = arith.constant 399 : i32
      %select_n3A_87 = arith.select %eq3A_85, %select_n3A_86, %select_n3A_83 : i32
      %add3A_88 = arith.addi %select_n3A_87, %mul3A_8 : i32
      %add3A_89 = arith.constant 1 : i32
      %add3A_90 = arith.addi %select_n3A_78, %add3A_89 : i32
      %select_n3A_91 = arith.constant true
      %select_n3A_92 = arith.select %select_n3A_91, %add3A_90, %select_n3A_78 : i32
      %eq3A_93 = arith.constant 400 : i32
      %eq3A_94 = arith.cmpi eq, %select_n3A_92, %eq3A_93 : i32
      %select_n3A_95 = arith.constant 0 : i32
      %select_n3A_96 = arith.select %eq3A_94, %select_n3A_95, %select_n3A_92 : i32
      %add3A_97 = arith.addi %select_n3A_96, %mul3A_8 : i32
      %add3A_98 = arith.constant 1 : i32
      %add3A_99 = arith.addi %select_n3A_96, %add3A_98 : i32
      %select_n3A_100 = arith.constant true
      %select_n3A_101 = arith.select %select_n3A_100, %add3A_99, %select_n3A_96 : i32
      %eq3A_102 = arith.constant 400 : i32
      %eq3A_103 = arith.cmpi eq, %select_n3A_101, %eq3A_102 : i32
      %select_n3A_104 = arith.constant 0 : i32
      %select_n3A_105 = arith.select %eq3A_103, %select_n3A_104, %select_n3A_101 : i32
      %add3A_106 = arith.addi %select_n3A_105, %mul3A_8 : i32
      "tpu.trace_start"() <{level = 10 : i32, message = "ep_finalize"}> : () -> ()
      %rem3A_107 = arith.constant 2 : i32
      %rem3A_108 = arith.remui %scan3A_70#3, %rem3A_107 : i32
      %mul3A_109 = arith.constant 256 : i32
      %mul3A_110 = arith.muli %mul3A_109, %add3A_79 : i32
      %dma_wait3A = arith.constant 0 : i32
      %dma_wait3A_111 = arith.constant 0 : i32
      %dma_wait3A_112 = tpu.memref_slice %run_scoped3A_10[%rem3A_108, %dma_wait3A, %dma_wait3A_111] : memref<2x256x128xf32, #tpu.memory_space<vmem>> -> memref<1x256x128xf32, #tpu.memory_space<vmem>>
      %dma_wait3A_113 = tpu.memref_squeeze %dma_wait3A_112 : memref<1x256x128xf32, #tpu.memory_space<vmem>> -> memref<256x128xf32, #tpu.memory_space<vmem>>
      %dma_wait3A_114 = arith.constant 0 : i32
      %dma_wait3A_115 = tpu.memref_slice %arg4[%mul3A_110, %dma_wait3A_114] : memref<3276800x128xf32, #tpu.memory_space<hbm>> -> memref<256x128xf32, #tpu.memory_space<hbm>>
      %dma_wait3A_116 = tpu.memref_slice %run_scoped3A_11[%rem3A_108] : memref<2x!tpu.dma_semaphore, #tpu.memory_space<semaphore_mem>> -> memref<1x!tpu.dma_semaphore, #tpu.memory_space<semaphore_mem>>
      %dma_wait3A_117 = tpu.memref_squeeze %dma_wait3A_116 : memref<1x!tpu.dma_semaphore, #tpu.memory_space<semaphore_mem>> -> memref<!tpu.dma_semaphore, #tpu.memory_space<semaphore_mem>>
      %dma_wait3A_118 = arith.constant 0 : i32
      %dma_wait3A_119 = tpu.memref_slice %arg4[%mul3A_110, %dma_wait3A_118] : memref<3276800x128xf32, #tpu.memory_space<hbm>> -> memref<256x128xf32, #tpu.memory_space<hbm>>
      %dma_wait3A_120 = arith.constant 0 : i32
      %dma_wait3A_121 = arith.constant 0 : i32
      %dma_wait3A_122 = tpu.memref_slice %run_scoped3A_10[%rem3A_108, %dma_wait3A_120, %dma_wait3A_121] : memref<2x256x128xf32, #tpu.memory_space<vmem>> -> memref<1x256x128xf32, #tpu.memory_space<vmem>>
      %dma_wait3A_123 = tpu.memref_squeeze %dma_wait3A_122 : memref<1x256x128xf32, #tpu.memory_space<vmem>> -> memref<256x128xf32, #tpu.memory_space<vmem>>
      tpu.wait_dma2 semaphore(%dma_wait3A_117 : memref<!tpu.dma_semaphore, #tpu.memory_space<semaphore_mem>>) src(%dma_wait3A_123 : memref<256x128xf32, #tpu.memory_space<vmem>>) dst(%dma_wait3A_119 : memref<256x128xf32, #tpu.memory_space<hbm>>)
      "tpu.trace_stop"() : () -> ()
      tpu.yield
    }) : () -> ()
    return
  }
}

</mosaic_0001>

<sc_bundles>
// kernel: kernel.3.cloned.1.call-start
scs
__scs_entry_jumppad:
0x0: {  	(pc) =	sbr.rel $0x88, $3  }
0x1: {  	(tag) =	ssettag $0x0;
	lr =	simm.s32 $0x1  }
0x2: {  	[smem:$0x3F9F] =	sst lr;
	_ =	strace $0xD0000000  }
0x3: {  	_ = 	snop  }
0x4: {  	_ = 	snop  }
0x5: {  	_ = 	snop  }
0x6: {  	_ = 	snop  }
0x7: {  	_ = 	snop  }
__scs_overlays_trampoline_lowered:
0x8: {  	[smem:$0x3FAE] =	sst s0  }
0x9: {  	[smem:$0x3FAF] =	sst s1  }
0xa: {  	[smem:$0x3FB0] =	sst s2  }
0xb: {  	[smem:$0x3FB1] =	sst s3  }
0xc: {  	[smem:$0x3FB2] =	sst s4  }
0xd: {  	[smem:$0x3FB3] =	sst s5  }
0xe: {  	[smem:$0x3FB4] =	sst s6  }
0xf: {  	[smem:$0x3FB5] =	sst s7  }
0x10: {  	[smem:$0x3FB6] =	sst s8  }
0x11: {  	[smem:$0x3FB7] =	sst s9;
	s0 =	simm.s32 @!p0 $0x0  }
0x12: {  	s1 =	sld [smem:$0x3F9D];
	s0 =	simm.s32 @p0 $0x1  }
0x13: {  	[smem:$0x3FB8] =	sst s0;
	s0 =	simm.s32 @!p1 $0x0  }
0x14: {  	s2 =	sld [smem:$0x3F9C];
	s0 =	simm.s32 @p1 $0x1  }
0x15: {  	[smem:$0x3FB9] =	sst s0;
	s0 =	simm.s32 @!p2 $0x0  }
0x16: {  	s3 =	sld [smem:$0x3FDB];
	s0 =	simm.s32 @p2 $0x1  }
0x17: {  	s4 =	simm.s32 $0x1BF5;
	[smem:$0x3FBB] =	sst s0  }
0x18: {  	s0 =	sld [smem:$0x3F9E];
	_ =	swait.ge [sflag:s4], $0x0  }
0x19: {  	s7 =	sld [smem:$0x3F9F]  }
0x1a: {  	s8 =	sadd.s32 $0xFFFFE003, lr  }
0x1b: {  	s9 =	sadd.s32 $0xFFFFFEF7, lr;
	s5 =	simm.s32 $0xFFFFFFFF;
	p2 =	slt.u32 s8, $0xFFFFF086  }
0x1c: {  	p1 =	slt.u32 s9, $0xF7A;
	s5 =	simm.s32 @!p2 $0x0  }
0x1d: {  	s5 =	simm.s32 @p1 $0x1;
	p0 =	seq.s32 s7, s2  }
0x1e: {  	s7 =	smul.u32 @!p0 $0xF7A, s2;
	p2 =	seq.s32 @!p0 s5, $0x0  }
0x1f: {  	s9 =	smul.u32 $0xF7A, s1;
	s8 =	simm.s32 @!p0 $0x1BF5;
	p2 =	por !p2, p0  }
0x20: {  	[sflag:s8] =	ssyncset.s32 @!p0 $0xFFFFF086;
	s6 =	sadd.s32 @!p0 s3, s7;
	s7 =	simm.s32 @!p0 $0x108  }
0x21: {  	s3 =	sadd.s32 s3, s9;
	s6 =	sadd.s32 @!p0 $0x88, s6;
	s7 =	simm.s32 @p2 $0x1082  }
0x22: {  	[simem:s7], [sflag:s8] =	dma.local @!p0 [hbm:s6], $0xF7A  }
0x23: {  	s9 =	sor.u32 $0xD0000000, s2;
	s6 =	simm.s32 $0x108;
	_ =	swait.ge @!p0 [sflag:s8], $0x0  }
0x24: {  	s3 =	sadd.s32 $0x88, s3;
	s6 =	simm.s32 @!p1 $0x1082;
	[sflag:s4] =	ssyncset.s32 $0xFFFFF086  }
0x25: {  	[simem:s6], [sflag:s4] =	dma.local [hbm:s3], $0xF7A  }
0x26: {  	[smem:$0x3F9F] =	sst s1;
	(tag) =	ssettag s2;
	_ =	strace s9  }
0x27: {  	s1 =	sld [smem:$0x3FAF]  }
0x28: {  	s2 =	sld [smem:$0x3FB0]  }
0x29: {  	s4 =	sld [smem:$0x3FB2]  }
0x2a: {  	p0 =	seq.s32 s5, $0x0;
	s5 =	sld [smem:$0x3FB3]  }
0x2b: {  	s6 =	sld [smem:$0x3FB4]  }
0x2c: {  	s7 =	sld [smem:$0x3FB5]  }
0x2d: {  	s3 =	simm.s32 $0x108;
	s8 =	sld [smem:$0x3FB6]  }
0x2e: {  	s3 =	simm.s32 @!p0 $0x1082;
	s9 =	sld [smem:$0x3FB7]  }
0x2f: {  	lr =	sadd.s32 s0, s3;
	s0 =	sld [smem:$0x3FAE]  }
0x30: {  	s3 =	sld [smem:$0x3FB1]  }
0x31: {  	[smem:$0x3FBA] =	sst s10  }
0x32: {  	s10 =	sld [smem:$0x3FB8];
	_ =	sdelay $0x3  }
0x33: {  	p0 =	seq.s32 s10, $0x1;
	s10 =	sld [smem:$0x3FBA];
	_ =	sdelay $0x3  }
0x34: {  	[smem:$0x3FBA] =	sst s10  }
0x35: {  	s10 =	sld [smem:$0x3FB9];
	_ =	sdelay $0x3  }
0x36: {  	p1 =	seq.s32 s10, $0x1;
	s10 =	sld [smem:$0x3FBA];
	_ =	sdelay $0x3  }
0x37: {  	[smem:$0x3FBA] =	sst s10  }
0x38: {  	s10 =	sld [smem:$0x3FBB]  }
0x39: {  	_ = 	snop;
	(pc) =	sbr.ind lr, $3  }
0x3a: {  	_ = 	snop  }
0x3b: {  	_ = 	snop  }
0x3c: {  	p2 =	seq.s32 s10, $0x1;
	s10 =	sld [smem:$0x3FBA]  }
0x3d: {  	_ =	shalt  }
0x3e: {  	_ =	shalt  }
0x3f: {  	_ =	shalt  }
0x40: {  	_ =	shalt  }
0x41: {  	_ =	shalt  }
0x42: {  	_ =	shalt  }
0x43: {  	_ =	shalt  }
0x44: {  	_ =	shalt  }
0x45: {  	_ =	shalt  }
0x46: {  	_ =	shalt  }
0x47: {  	_ =	shalt  }
0x48: {  	_ =	shalt  }
0x49: {  	_ =	shalt  }
0x4a: {  	_ =	shalt  }
0x4b: {  	_ =	shalt  }
0x4c: {  	_ =	shalt  }
0x4d: {  	_ =	shalt  }
0x4e: {  	_ =	shalt  }
0x4f: {  	_ =	shalt  }
0x50: {  	_ =	shalt  }
0x51: {  	_ =	shalt  }
0x52: {  	_ =	shalt  }
0x53: {  	_ =	shalt  }
0x54: {  	_ =	shalt  }
0x55: {  	_ =	shalt  }
0x56: {  	_ =	shalt  }
0x57: {  	_ =	shalt  }
0x58: {  	_ =	shalt  }
0x59: {  	_ =	shalt  }
0x5a: {  	_ =	shalt  }
0x5b: {  	_ =	shalt  }
0x5c: {  	_ =	shalt  }
0x5d: {  	_ =	shalt  }
0x5e: {  	_ =	shalt  }
0x5f: {  	_ =	shalt  }
0x60: {  	_ =	shalt  }
0x61: {  	_ =	shalt  }
0x62: {  	_ =	shalt  }
0x63: {  	_ =	shalt  }
0x64: {  	_ =	shalt  }
0x65: {  	_ =	shalt  }
0x66: {  	_ =	shalt  }
0x67: {  	_ =	shalt  }
0x68: {  	_ =	shalt  }
0x69: {  	_ =	shalt  }
0x6a: {  	_ =	shalt  }
0x6b: {  	_ =	shalt  }
0x6c: {  	_ =	shalt  }
0x6d: {  	_ =	shalt  }
0x6e: {  	_ =	shalt  }
0x6f: {  	_ =	shalt  }
0x70: {  	_ =	shalt  }
0x71: {  	_ =	shalt  }
0x72: {  	_ =	shalt  }
0x73: {  	_ =	shalt  }
0x74: {  	_ =	shalt  }
0x75: {  	_ =	shalt  }
0x76: {  	_ =	shalt  }
0x77: {  	_ =	shalt  }
0x78: {  	_ =	shalt  }
0x79: {  	_ =	shalt  }
0x7a: {  	_ =	shalt  }
0x7b: {  	_ =	shalt  }
0x7c: {  	_ =	shalt  }
0x7d: {  	_ =	shalt  }
0x7e: {  	_ =	shalt  }
0x7f: {  	_ =	shalt  }
0x80: {  	_ =	shalt  }
0x81: {  	_ =	shalt  }
0x82: {  	_ =	shalt  }
0x83: {  	_ =	shalt  }
0x84: {  	_ =	shalt  }
0x85: {  	_ =	shalt  }
0x86: {  	_ =	shalt  }
0x87: {  	_ =	shalt  }
.Lfunc_end0:
.L_simem_size_0:
called_computation_lowered:
.L_overlay_start_0:
0x88: {  	s2 =	sld [smem:$0x3FD9]  }
0x89: {  	s3 =	sld [smem:$0x3FFE];
	_ =	sdelay $0x1  }
0x8a: {  	s1 =	srdreg.scid  }
0x8b: {  	s0 =	sand.u32 $0x1, s1  }
0x8c: {  	s17 =	sshll.u32 s0, $0xA;
	s2 =	sadd.s32 s3, s2  }
0x8d: {  	s2 =	sadd.s32 s2, s17  }
0x8e: {  	[smem:$0x3FC6] =	sst s2  }
0x8f: {  	_ = 	snop  }
0x90: {  	s2 =	sld [smem:$0x3FD0];
	(tm) =	ssettm $0x1  }
0x91: {  	s18 =	sld [smem:$0x3FFB];
	_ =	sdelay $0x3  }
0x92: {  	_ =	strace s18  }
0x93: {  	s3 =	sld [smem:$0x3FFC];
	_ =	sdelay $0x3  }
0x94: {  	_ =	strace s3  }
0x95: {  	s3 =	sld [smem:$0x3FFD];
	_ =	sdelay $0x3  }
0x96: {  	_ =	strace s3  }
0x97: {  	_ =	strace $0x8FFFFFFF  }
0x98: {  	s19 =	sld [smem:$0x3FDB];
	_ =	sdelay $0x1  }
0x99: {  	s4 =	simm.s32 $_scs_section_size  }
0x9a: {  	s5 =	simm.s32 $_size__tile_overlayer_lowered;
	s6 =	simm.s32 $_tile_overlayer_lowered  }
0x9b: {  	s22 =	simm.s32 $0x1BFF;
	s21 =	sshll.u32 s6, $0x1;
	s3 =	sadd.s32 s4, s19  }
0x9c: {  	s7 =	simm.s32 $0x0;
	s20 =	sshll.u32 s5, $0x1;
	s5 =	sadd.s32 s21, s3  }
0x9d: {  	[timem:s7], [sflag:s22] =	dma.local [hbm:s5], s20  }
0x9e: {  	_ =	swait.ge [sflag:s22], s20  }
0x9f: {  	s4 =	ssub.s32 $0x0, s20;
	[sflag:s22] =	ssyncset.done $0x0  }
0xa0: {  	[sflag:s22] =	ssyncadd.s32 s4;
	_ =	sdelay $0x1  }
0xa1: {  	s23 =	simm.s32 $0x1B8B  }
0xa2: {  	_ =	swait.ge [sflag:s23], $0x1  }
0xa3: {  	[sflag:s23] =	ssyncset.done $0x0  }
0xa4: {  	s25 =	simm.s32 $0x1B8E;
	s24 =	sld [smem:$0x3FFE];
	[sflag:s23] =	ssyncadd.s32 $0xFFFFFFFF  }
0xa5: {  	s26 =	simm.s32 $execute0_lowered;
	[smem:$0x3FD2] =	sst s25  }
0xa6: {  	s5 =	sshll.u32 s26, $0x1;
	_ =	strace $0x80000046;
	[dreg:$0x1] =	wrdreg $0xFFFFFFFF  }
0xa7: {  	s28 =	simm.s32 $_size_execute0_lowered;
	s3 =	sadd.s32 s3, s5;
	[dreg:$0x0] =	wrdreg $0x0  }
0xa8: {  	s5 =	sshll.u32 s28, $0x1;
	[dreg:$0x2] =	wrdreg s3  }
0xa9: {  	[dreg:$0x3] =	wrdreg s5  }
0xaa: {  	[dreg:$0x4] =	wrdreg $0xC0  }
0xab: {  	_ =	task [dreg:s7], $0x5FFFF  }
0xac: {  	[dreg:$0x1] =	wrdreg $0xFFFFFFFF  }
0xad: {  	[dreg:$0x0] =	wrdreg $0x60  }
0xae: {  	[dreg:$0x2] =	wrdreg s24  }
0xaf: {  	[dreg:$0x3] =	wrdreg s2  }
0xb0: {  	[dreg:$0x4] =	wrdreg $0x0  }
0xb1: {  	[dreg:$0x5] =	wrdreg $0x9  }
0xb2: {  	_ =	task.clear_ibuf [dreg:s7], $0x6FFFF;
	_ =	strace $0x90000046  }
0xb3: {  	s29 =	simm.s32 $0x9;
	_ =	strace $0x8000004F  }
0xb4: {  	_ =	swait.ge [sflag:s29], $0x1  }
0xb5: {  	[sflag:s29] =	ssyncadd.s32 $0xFFFFFFFF  }
0xb6: {  	_ =	strace $0x9000004F  }
0xb7: {  	_ =	sfence  }
0xb8: {  	s30 =	sld [smem:$0x0];
	_ =	sdelay $0x2  }
0xb9: {  	s31 =	sshll.u32 s1, $0xD;
	s1 =	sshrl.u32 s1, $0x2  }
0xba: {  	s3 =	sand.u32 $0x4000, s31;
	s1 =	sadd.s32 s1, s30  }
0xbb: {  	s0 =	sor.u32 s3, s0;
	s1 =	sshll.u32 s1, $0x11  }
0xbc: {  	s0 =	sor.u32 s1, s0  }
0xbd: {  	s0 =	sadd.s32 $0x8F2B, s0  }
0xbe: {  	[sflag:s0] =	ssyncadd.remote.s32 $0x1  }
0xbf: {  	_ =	sfence.sel $0xFFFF  }
0xc0: {  	[dreg:$0x0] =	wrdreg $0xFFFFFFFF;
	(pc) =	sbr.abs _section_cstart, $3  }
0xc1: {  	[dreg:$0x1] =	wrdreg $0xFFFFFFFF  }
0xc2: {  	_ =	task.clear_ibuf [dreg:s7], $0x2FFFF;
	_ =	strace $0x9FFFFFFF  }
0xc3: {  	(tm) =	ssettm $0x7FFFFFFF  }
tec
execute0_lowered:
.L_overlay_start_1:
0x0: {  	(tag) =	ssettag $0x1  }
0x1: {  	s0 =	rddreg [dreg:$0x0]  }
0x2: {  	s1 =	rddreg [dreg:$0x1]  }
0x3: {  	s2 =	rddreg [dreg:$0x2]  }
0x4: {  	s3 =	srdreg.scid;
	s9 =	stileid.u32  }
0x5: {  	s12 =	simm.s32 $0xC800;
	s14 =	simm.s32 $0x100;
	s15 =	simm.s32 $0xCA00  }
0x6: {  	s16 =	simm.s32 $0x1;
	s17 =	simm.s32 $0x0;
	s4 =	sand.u32 $0x1, s3  }
0x7: {  	s3 =	simm.s32 $0x0;
	s29 =	sadd.s32 $0x400, s0;
	s6 =	sadd.s32 $0x19400, s0  }
0x8: {  	p0 =	sne.s32 s9, $0x0;
	s5 =	sshll.u32 s4, $0x4;
	s8 =	ssub.s32 $0x2, s4  }
0x9: {  	[smem:$0x7FF] =	sst s3;
	s7 =	sor.u32 s9, s5;
	s10 =	sshrl.u32 s8, $0x1  }
0xa: {  	_ =	strace $0x80000047;
	s11 =	smul.u32 $0x3200, s7;
	s30 =	ssub.s32 s8, s10  }
0xb: {  	[dreg:$0x4] =	wrdreg s29;
	s31 =	smul.u32 $0x190000, s7;
	s0 =	smax.u32 s30, $0x1  }
0xc: {  	s4 =	smul.u32 $0x190, s7;
	s7 =	sadd.s32 s6, s11;
	[dreg:$0x5] =	wrdreg s0  }
0xd: {  	s10 =	sadd.s32 s1, s31;
	s11 =	sshrl.u32 @!p0 s2, $0x3;
	s9 =	sadd.s32 $0x20, s7  }
.LBB2_1:
0xe: {  	s0 =	simm.s32 @!p0 $0x1C02;
	s5 =	rddreg [dreg:$0x4]  }
0xf: {  	[spmem:s11], [sflag:s0] =	dma.local @!p0 [hbm:s5], $0x19000  }
0x10: {  	s0 =	simm.s32 @!p0 $0x2  }
0x11: {  	_ =	swait.ge @!p0 [sflag:s0], $0x19000  }
0x12: {  	[sflag:s0] =	ssyncset.done @!p0 $0x0  }
0x13: {  	[sflag:s0] =	ssyncadd.s32 @!p0 $0xFFFE7000  }
0x14: {  	[bflag:$0x0] =	sbarrier.arrive $0xFFFF  }
0x15: {  	_ =	strace $0x80000048  }
0x16: {  	[tilespmem:s12], [sflag:$0x2] =	stream.linear.gather [hbm4b:s7+s3], $0x100, $0x200038;
	[tilespmem:$0x1CA00] =	vst v63  }
0x17: {  	_ =	strace $0x90000048  }
0x18: {  	s24 =	simm.s32 $0xC900;
	_ =	strace $0x80000049  }
0x19: {  	[tilespmem:s24], [sflag:$0x3] =	stream.linear.gather [hbm4b:s9+s3], $0x100, $0x200038;
	[tilespmem:$0x1CA00] =	vst v63  }
0x1a: {  	_ =	strace $0x90000049  }
0x1b: {  	s0 =	simm.s32 $0x2;
	_ =	strace $0x8000004A  }
0x1c: {  	_ =	swait.ge [sflag:s0], $0x100  }
0x1d: {  	[sflag:s0] =	ssyncset.done $0x0  }
0x1e: {  	[sflag:s0] =	ssyncadd.s32 $0xFFFFFF00  }
0x1f: {  	_ =	strace $0x9000004A  }
0x20: {  	s13 =	simm.s32 $0x2;
	p1 =	por $0x0, $0x0;
	_ =	strace $0x8000004B  }
0x21: {  	[tilespmem:s15], [sflag:$0x1] =	stream.indirect.gather [spmem:s2], $0x80, s12, s14, $0x2000b8;
	[tilespmem:$0x1CA00] =	vst v63  }
0x22: {  	s19 =	simm.s32 $0x100;
	s13 =	simm.s32 @p1 $0x0;
	_ =	swait.ge [sflag:s16], $0x8000  }
0x23: {  	s25 =	sand.u32 $0x1, s16;
	p1 =	seq.s32 s13, $0x1;
	[sflag:s16] =	ssyncset.done $0x0  }
0x24: {  	s21 =	simm.s32 $0x1;
	s18 =	sadd.s32 @!p1 s4, s13;
	[sflag:s16] =	ssyncadd.s32 $0xFFFF8000  }
0x25: {  	s22 =	simm.s32 @!p1 $0x0;
	s18 =	sshll.u32 @!p1 s18, $0x5;
	_ =	strace $0x9000004B  }
0x26: {  	s18 =	sand.u32 @!p1 $0x1FFFFFE0, s18;
	s0 =	sand.u32 @!p1 $0x1, s0;
	_ =	strace $0x8000004C  }
0x27: {  	[hbm4b:s10+s3] =	stream.linear.scatter [tilespmem:s15], [sflag:$0x4], $0x8000, $0x200038;
	[tilespmem:$0x1CA00] =	vst v63  }
0x28: {  	s18 =	sadd.s32 @!p1 s6, s18;
	s20 =	sshll.u32 @!p1 s0, $0x8;
	_ =	strace $0x9000004C  }
0x29: {  	s0 =	sor.u32 @!p1 $0x2, s0;
	s20 =	sor.u32 @!p1 $0xC800, s20;
	_ =	strace @!p1 $0x80000049  }
0x2a: {  	[tilespmem:s20], [sflag:s0] =	stream.linear.gather @!p1 [hbm4b:s18+s22], $0x100, $0x200038;
	[tilespmem:$0x1CA00] =	vst v63  }
0x2b: {  	s26 =	sand.u32 $0x100, s19;
	s19 =	simm.s32 $0x1;
	_ =	strace @!p1 $0x90000049  }
0x2c: {  	p2 =	sne.s32 s13, $0x1;
	s0 =	sor.u32 $0x2, s25;
	_ =	strace $0x8000004A  }
0x2d: {  	s28 =	sadd.s32 s4, s13;
	s21 =	simm.s32 @!p2 $0x0;
	_ =	swait.ge [sflag:s0], $0x100  }
0x2e: {  	s24 =	sadd.s32 $0x2, s21;
	s21 =	sadd.s32 $0x1, s21;
	[sflag:s0] =	ssyncset.done $0x0  }
0x2f: {  	s31 =	sshll.u32 s21, $0x8;
	s25 =	sand.u32 $0x1, s16;
	[sflag:s0] =	ssyncadd.s32 $0xFFFFFF00  }
0x30: {  	s29 =	sand.u32 $0x1, s21;
	s30 =	sshll.u32 s25, $0xF;
	_ =	strace $0x9000004A  }
0x31: {  	s18 =	sor.u32 $0xC800, s26;
	s0 =	sadd.s32 $0xCA00, s30;
	_ =	strace $0x8000004B  }
0x32: {  	[tilespmem:s0], [sflag:$0x1] =	stream.indirect.gather [spmem:s2], $0x80, s18, s14, $0x2000b8;
	[tilespmem:$0x1CA00] =	vst v63  }
0x33: {  	s23 =	sand.u32 $0x100, s31;
	s20 =	sadd.s32 $0x1, s4;
	_ =	swait.ge [sflag:s16], $0x8000  }
0x34: {  	s20 =	sshll.u32 @!p1 s20, $0xC;
	s25 =	sor.u32 @!p1 $0x4, s25;
	[sflag:s16] =	ssyncset.done $0x0  }
0x35: {  	s18 =	sand.u32 @!p1 $0x1FFFF000, s20;
	s20 =	sadd.s32 $0x1, s13;
	[sflag:s16] =	ssyncadd.s32 $0xFFFF8000  }
0x36: {  	s30 =	sand.u32 $0x1, s3;
	p2 =	seq.s32 s20, $0x190;
	_ =	strace $0x9000004B  }
0x37: {  	s26 =	sadd.s32 @!p1 s1, s18;
	s20 =	simm.s32 @p2 $0x0;
	_ =	strace @!p1 $0x8000004C  }
0x38: {  	[hbm4b:s26+s22] =	stream.linear.scatter @!p1 [tilespmem:s0], [sflag:s25], $0x8000, $0x200038;
	[tilespmem:$0x1CA00] =	vst v63  }
0x39: {  	s18 =	simm.s32 $0x2;
	p2 =	sne.s32 s13, s20;
	s0 =	sor.u32 $0x4, s30  }
0x3a: {  	s26 =	sor.u32 $0x2, s29;
	s25 =	smov.u32 s21;
	_ =	strace @!p1 $0x9000004C  }
0x3b: {  	s22 =	smov.u32 s21;
	p1 =	seq.s32 s13, s20;
	_ =	strace $0x8000004D  }
0x3c: {  	s13 =	sand.u32 @!p1 $0x1, s24;
	s29 =	sadd.s32 @!p1 s4, s20;
	_ =	swait.ge [sflag:s0], $0x8000  }
.LBB2_2:
0x3d: {  	s5 =	sshll.u32 @!p1 s29, $0x5  }
0x3e: {  	s30 =	simm.s32 @!p1 $0x0;
	[sflag:s0] =	ssyncset.done $0x0;
	s31 =	smov.u32 s19  }
0x3f: {  	s19 =	smov.u32 s18;
	s29 =	smov.u32 s20;
	s8 =	sshll.u32 @!p1 s13, $0x8  }
0x40: {  	s5 =	sand.u32 @!p1 $0x1FFFFFE0, s5;
	[sflag:s0] =	ssyncadd.s32 $0xFFFF8000;
	s0 =	sor.u32 @!p1 $0xC800, s8  }
0x41: {  	s8 =	sshll.u32 @!p1 s28, $0xC;
	s28 =	simm.s32 $0x1;
	s5 =	sadd.s32 @!p1 s6, s5  }
0x42: {  	s13 =	sor.u32 @!p1 $0x2, s13;
	s28 =	simm.s32 @!p2 $0x0;
	_ =	strace $0x9000004D  }
0x43: {  	s8 =	sand.u32 @!p1 $0x1FFFF000, s8;
	s24 =	sadd.s32 s28, s24;
	_ =	strace @!p1 $0x80000049  }
0x44: {  	[tilespmem:s0], [sflag:s13] =	stream.linear.gather @!p1 [hbm4b:s5+s30], $0x100, $0x200038;
	[tilespmem:$0x1CA00] =	vst v63  }
0x45: {  	s21 =	sadd.s32 s28, s21;
	s5 =	sadd.s32 @!p1 s1, s8;
	_ =	strace @!p1 $0x90000049  }
0x46: {  	s22 =	sadd.s32 s28, s22;
	s0 =	sand.u32 $0x1, s25;
	_ =	strace $0x8000004A  }
0x47: {  	s8 =	sand.u32 $0x1, s22;
	s13 =	sshll.u32 s22, $0x8;
	_ =	swait.ge [sflag:s26], $0x100  }
0x48: {  	s13 =	sand.u32 $0x100, s13;
	s25 =	sshll.u32 s0, $0xF;
	[sflag:s26] =	ssyncset.done $0x0  }
0x49: {  	s28 =	sor.u32 $0xC800, s23;
	[sflag:s26] =	ssyncadd.s32 $0xFFFFFF00;
	s26 =	sadd.s32 $0xCA00, s25  }
0x4a: {  	s18 =	sadd.s32 $0x1, s18;
	s25 =	smov.u32 s21;
	_ =	strace $0x9000004A  }
0x4b: {  	p3 =	sne.s32 s18, $0x18E;
	s23 =	smov.u32 s13;
	_ =	strace $0x8000004B  }
0x4c: {  	[tilespmem:s26], [sflag:$0x1] =	stream.indirect.gather [spmem:s2], $0x80, s28, s14, $0x2000b8;
	[tilespmem:$0x1CA00] =	vst v63  }
0x4d: {  	_ =	swait.ge [sflag:s16], $0x8000  }
0x4e: {  	s13 =	sor.u32 @!p1 $0x4, s0;
	[sflag:s16] =	ssyncset.done $0x0  }
0x4f: {  	s0 =	sand.u32 $0x1, s31;
	s28 =	sadd.s32 s4, s20;
	[sflag:s16] =	ssyncadd.s32 $0xFFFF8000  }
0x50: {  	s0 =	sor.u32 $0x4, s0;
	s20 =	sadd.s32 $0x1, s20;
	_ =	strace $0x9000004B  }
.Ltmp0:
0x51: {  	p2 =	seq.s32 s20, $0x190;
	_ =	strace @!p1 $0x8000004C;
	(pc) =	sbr.rel @p3 .LBB2_2-.Ltmp0, $4  }
0x52: {  	[hbm4b:s5+s30] =	stream.linear.scatter @!p1 [tilespmem:s26], [sflag:s13], $0x8000, $0x200038;
	[tilespmem:$0x1CA00] =	vst v63  }
0x53: {  	s20 =	simm.s32 @p2 $0x0;
	s26 =	sor.u32 $0x2, s8;
	_ =	strace @!p1 $0x9000004C  }
0x54: {  	p2 =	sne.s32 s29, s20;
	p1 =	seq.s32 s29, s20;
	_ =	strace $0x8000004D  }
0x55: {  	s13 =	sand.u32 @!p1 $0x1, s24;
	s29 =	sadd.s32 @!p1 s4, s20;
	_ =	swait.ge [sflag:s0], $0x8000  }
0x56: {  	s5 =	sshll.u32 @!p1 s29, $0x5;
	[sflag:s0] =	ssyncset.done $0x0  }
0x57: {  	s8 =	sshll.u32 @!p1 s13, $0x8;
	s13 =	sor.u32 @!p1 $0x2, s13;
	[sflag:s0] =	ssyncadd.s32 $0xFFFF8000  }
0x58: {  	s5 =	sand.u32 @!p1 $0x1FFFFFE0, s5;
	s0 =	simm.s32 @!p1 $0x0;
	_ =	strace $0x9000004D  }
0x59: {  	s8 =	sor.u32 @!p1 $0xC800, s8;
	s5 =	sadd.s32 @!p1 s6, s5;
	_ =	strace @!p1 $0x80000049  }
0x5a: {  	[tilespmem:s8], [sflag:s13] =	stream.linear.gather @!p1 [hbm4b:s5+s0], $0x100, $0x200038;
	[tilespmem:$0x1CA00] =	vst v63  }
0x5b: {  	_ =	strace @!p1 $0x90000049  }
0x5c: {  	_ =	strace $0x8000004A  }
0x5d: {  	_ =	swait.ge [sflag:s26], $0x100  }
0x5e: {  	[sflag:s26] =	ssyncset.done $0x0  }
0x5f: {  	s5 =	sand.u32 $0x1, s25;
	[sflag:s26] =	ssyncadd.s32 $0xFFFFFF00  }
0x60: {  	s13 =	sshll.u32 s5, $0xF;
	_ =	strace $0x9000004A  }
0x61: {  	s23 =	sor.u32 $0xC800, s23;
	s8 =	sadd.s32 $0xCA00, s13;
	_ =	strace $0x8000004B  }
0x62: {  	[tilespmem:s8], [sflag:$0x1] =	stream.indirect.gather [spmem:s2], $0x80, s23, s14, $0x2000b8;
	[tilespmem:$0x1CA00] =	vst v63  }
0x63: {  	_ =	swait.ge [sflag:s16], $0x8000  }
0x64: {  	[sflag:s16] =	ssyncset.done $0x0  }
0x65: {  	s13 =	sshll.u32 @!p1 s28, $0xC;
	[sflag:s16] =	ssyncadd.s32 $0xFFFF8000  }
0x66: {  	s13 =	sand.u32 @!p1 $0x1FFFF000, s13;
	_ =	strace $0x9000004B  }
0x67: {  	s5 =	sor.u32 @!p1 $0x4, s5;
	s13 =	sadd.s32 @!p1 s1, s13;
	_ =	strace @!p1 $0x8000004C  }
0x68: {  	[hbm4b:s13+s0] =	stream.linear.scatter @!p1 [tilespmem:s8], [sflag:s5], $0x8000, $0x200038;
	[tilespmem:$0x1CA00] =	vst v63  }
0x69: {  	s24 =	sand.u32 $0x1, s19;
	_ =	strace @!p1 $0x9000004C  }
0x6a: {  	s0 =	sor.u32 $0x4, s24;
	_ =	strace $0x8000004D  }
0x6b: {  	s5 =	simm.s32 $0x1;
	_ =	swait.ge [sflag:s0], $0x8000  }
0x6c: {  	s5 =	simm.s32 @!p2 $0x0;
	[sflag:s0] =	ssyncset.done $0x0  }
0x6d: {  	s25 =	sadd.s32 s5, s22;
	[sflag:s0] =	ssyncadd.s32 $0xFFFF8000  }
0x6e: {  	s26 =	sand.u32 $0x1, s25;
	_ =	strace $0x9000004D  }
0x6f: {  	s13 =	sor.u32 $0x2, s26;
	_ =	strace $0x8000004A  }
0x70: {  	_ =	swait.ge [sflag:s13], $0x100  }
0x71: {  	s5 =	sadd.s32 s5, s21;
	[sflag:s13] =	ssyncset.done $0x0  }
0x72: {  	s5 =	sand.u32 $0x1, s5;
	s8 =	sshll.u32 s25, $0x8;
	[sflag:s13] =	ssyncadd.s32 $0xFFFFFF00  }
0x73: {  	s28 =	sshll.u32 s5, $0xF;
	s8 =	sand.u32 $0x100, s8;
	_ =	strace $0x9000004A  }
0x74: {  	s8 =	sor.u32 $0xC800, s8;
	s13 =	sadd.s32 $0xCA00, s28;
	_ =	strace $0x8000004B  }
0x75: {  	[tilespmem:s13], [sflag:$0x1] =	stream.indirect.gather [spmem:s2], $0x80, s8, s14, $0x2000b8;
	[tilespmem:$0x1CA00] =	vst v63  }
0x76: {  	_ =	swait.ge [sflag:s16], $0x8000  }
0x77: {  	s29 =	sadd.s32 s4, s20;
	[sflag:s16] =	ssyncset.done $0x0  }
0x78: {  	s8 =	sshll.u32 s29, $0xC;
	[sflag:s16] =	ssyncadd.s32 $0xFFFF8000  }
0x79: {  	s8 =	sand.u32 $0x1FFFF000, s8;
	_ =	strace $0x9000004B  }
0x7a: {  	s5 =	sor.u32 $0x4, s5;
	s8 =	sadd.s32 s1, s8;
	_ =	strace $0x8000004C  }
0x7b: {  	[hbm4b:s8+s3] =	stream.linear.scatter [tilespmem:s13], [sflag:s5], $0x8000, $0x200038;
	[tilespmem:$0x1CA00] =	vst v63  }
0x7c: {  	s30 =	sand.u32 $0x1, s18;
	_ =	strace $0x9000004C  }
0x7d: {  	s5 =	sor.u32 $0x4, s30;
	_ =	strace $0x8000004D  }
0x7e: {  	_ =	swait.ge [sflag:s5], $0x8000  }
0x7f: {  	[sflag:s5] =	ssyncset.done $0x0  }
0x80: {  	[sflag:s5] =	ssyncadd.s32 $0xFFFF8000  }
0x81: {  	_ =	strace $0x9000004D  }
0x82: {  	_ =	strace $0x8000004E  }
0x83: {  	_ =	swait.ge [sflag:s0], $0x8000  }
0x84: {  	s17 =	sadd.s32 $0x1, s17;
	s31 =	rddreg [dreg:$0x5]  }
0x85: {  	p1 =	sne.s32 s17, s31  }
.Ltmp1:
0x86: {  	_ = 	snop;
	(pc) =	sbr.rel @p1 .LBB2_1-.Ltmp1, $4  }
0x87: {  	_ = 	snop  }
0x88: {  	[sflag:s0] =	ssyncset.done $0x0  }
0x89: {  	[sflag:s0] =	ssyncadd.s32 $0xFFFF8000  }
0x8a: {  	_ =	strace $0x9000004E  }
0x8b: {  	_ =	sfence.sel $0x180000  }
0x8c: {  	[bflag:$0x0] =	sbarrier.arrive $0xFFFF  }
0x8d: {  	_ =	strace $0x90000047  }
0x8e: {  	[bflag:$0x2] =	sbarrier.arrive $0xFFFF  }
0x8f: {  	s0 =	rddreg [dreg:$0x3]  }
0x90: {  	s0 =	sadd.s32 @!p0 $0x100000, s0  }
0x91: {  	[sflag:s0] =	ssyncadd.tile.s32 @!p0 $0x1;
	_ =	shalt  }
.Lfunc_end2:
_tile_overlayer_lowered:
.L_overlay_start_2:
0x92: {  	(tag) =	ssettag $0x2  }
0x93: {  	s0 =	rddreg [dreg:$0x0];
	s2 =	stileid.u32  }
0x94: {  	s1 =	rddreg [dreg:$0x1];
	p0 =	sne.s32 s2, $0x0  }
0x95: {  	s3 =	rddreg [dreg:$0x2];
	[bflag:$0x3] =	sbarrier.arrive $0xFFFF;
	s2 =	simm.s32 @!p0 $0x1C02  }
0x96: {  	[timem:s3], [sflag:s2] =	dma.local @!p0 [hbm:s0], s1  }
0x97: {  	s0 =	simm.s32 @!p0 $0x2  }
0x98: {  	_ =	swait.ge @!p0 [sflag:s0], s1  }
0x99: {  	s1 =	ssub.s32 @!p0 $0x0, s1;
	[sflag:s0] =	ssyncset.done @!p0 $0x0  }
0x9a: {  	[sflag:s0] =	ssyncadd.s32 @!p0 s1  }
0x9b: {  	[bflag:$0x3] =	sbarrier.arrive $0xFFFF  }
0x9c: {  	_ =	shalt  }

</sc_bundles>
